<compile_context>
chip_gen: v7x
topology: tpu7x:2x2x1
jax: 0.10.2.dev20260603
libtpu: 0.0.44.dev20260713+nightly
codegen_flags: <defaults>
</compile_context>

<pallas_src>
import functools

import jax
import jax.numpy as jnp
from jax import lax
from jax.experimental import pallas as pl
from jax.experimental.pallas import tpu as pltpu
from jax.experimental.pallas import tpu_sc as plsc

N_VERTS = 3889
N_CENTER = 889
N_LEFT = 1500
N_SD = 20
N_FIXED = 10
SEC = 32
OFF = 10
ROW = 128
PAD_B = 4096

_info = plsc.get_sparse_core_info()
_NC = _info.num_cores
_NS = _info.num_subcores
_NW = _NC * _NS
_BPW = PAD_B // _NW


def _build_table_body(params_ref, idx_ref, tab_ref, idxp_ref):
    a, b = N_CENTER, N_CENTER + N_LEFT
    c0 = params_ref[0:889, :]
    c2 = params_ref[889:1778, :]
    l0 = params_ref[1778:3278, :]
    l1 = params_ref[3278:4778, :]
    l2 = params_ref[4778:6278, :]
    s0, s1, s2 = OFF, SEC + OFF, 2 * SEC + OFF
    tab_ref[0:a, s0:s0 + N_SD] = c0
    tab_ref[0:a, s1:s1 + N_SD] = jnp.zeros((N_CENTER, N_SD), jnp.float32)
    tab_ref[0:a, s2:s2 + N_SD] = c2
    tab_ref[a:b, s0:s0 + N_SD] = l0
    tab_ref[a:b, s1:s1 + N_SD] = l1
    tab_ref[a:b, s2:s2 + N_SD] = l2
    tab_ref[b:N_VERTS, s0:s0 + N_SD] = l0
    tab_ref[b:N_VERTS, s1:s1 + N_SD] = -l1
    tab_ref[b:N_VERTS, s2:s2 + N_SD] = l2
    ipad = jnp.concatenate(
        [idx_ref[...], jnp.zeros((PAD_B - N_VERTS,), jnp.int32)], axis=0)
    idxp_ref[...] = ipad.reshape(_NW, _BPW)


_sc_mesh = plsc.VectorSubcoreMesh(core_axis_name="c", subcore_axis_name="s")


@functools.partial(
    pl.kernel,
    mesh=_sc_mesh,
    out_type=jax.ShapeDtypeStruct((PAD_B, 3, ROW), jnp.float32),
    scratch_types=[
        pltpu.VMEM((_BPW,), jnp.int32),
        pltpu.VMEM((_BPW, ROW), jnp.float32),
        pltpu.SemaphoreType.DMA,
        pltpu.SemaphoreType.DMA,
        pltpu.SemaphoreType.DMA,
    ],
)
def _sc_gather(tab_hbm, idxp_hbm, out_hbm, idx_v, rows_v, gsem0, gsem1, wsem):
    wid = lax.axis_index("s") * _NC + lax.axis_index("c")
    base = wid * _BPW
    half = _BPW // 2
    pltpu.sync_copy(idxp_hbm.at[wid], idx_v)
    g0 = pltpu.async_copy(tab_hbm.at[idx_v.at[pl.ds(0, half)]],
                          rows_v.at[pl.ds(0, half)], gsem0)
    g1 = pltpu.async_copy(tab_hbm.at[idx_v.at[pl.ds(half, half)]],
                          rows_v.at[pl.ds(half, half)], gsem1)
    handles = []
    g0.wait()
    for s in range(3):
        handles.append(pltpu.async_copy(
            rows_v.at[pl.ds(0, half), pl.ds(s * SEC, SEC)],
            out_hbm.at[pl.ds(base, half), s, pl.ds(0, SEC)], wsem))
    g1.wait()
    for s in range(3):
        handles.append(pltpu.async_copy(
            rows_v.at[pl.ds(half, half), pl.ds(s * SEC, SEC)],
            out_hbm.at[pl.ds(base + half, half), s, pl.ds(0, SEC)], wsem))
    for h in handles:
        h.wait()


VBLK = 512
NBLK = 8


def _assemble_body(sd_ref, g_ref, comp_ref, prep_ref):
    i = pl.program_id(0)
    sdh = sd_ref[:, :, 0:N_FIXED]
    gg = g_ref[:, :, OFF:OFF + N_SD]
    comp = jnp.concatenate([sdh, gg], axis=2)
    comp_ref[...] = comp
    flat = comp.reshape(VBLK * 3, 30)
    r = lax.broadcasted_iota(jnp.int32, (30, 30), 0)
    c = lax.broadcasted_iota(jnp.int32, (30, 30), 1)
    eye = (r == c).astype(jnp.float32)
    pblk = lax.dot_general(
        eye, flat, (((1,), (1,)), ((), ())),
        preferred_element_type=jnp.float32,
    )
    tail = N_VERTS * 3 - (NBLK - 1) * VBLK * 3

    @pl.when(i < NBLK - 1)
    def _():
        prep_ref[:, pl.ds(i * VBLK * 3, VBLK * 3)] = pblk

    @pl.when(i == NBLK - 1)
    def _():
        prep_ref[:, pl.ds((NBLK - 1) * VBLK * 3, tail)] = pblk[:, 0:tail]


def kernel(c0, c2, l0, l1, l2, sd, inds_back):
    params = jnp.concatenate([c0, c2, l0, l1, l2], axis=0)
    idx1d = inds_back.astype(jnp.int32)
    tab, idxp = pl.pallas_call(
        _build_table_body,
        out_shape=(
            jax.ShapeDtypeStruct((N_VERTS, ROW), jnp.float32),
            jax.ShapeDtypeStruct((_NW, _BPW), jnp.int32),
        ),
    )(params, idx1d)

    g = _sc_gather(tab, idxp)

    comp, prep = pl.pallas_call(
        _assemble_body,
        out_shape=(
            jax.ShapeDtypeStruct((N_VERTS, 3, 30), jnp.float32),
            jax.ShapeDtypeStruct((30, N_VERTS * 3), jnp.float32),
        ),
        grid=(NBLK,),
        in_specs=[
            pl.BlockSpec((VBLK, 3, 30), lambda i: (i, 0, 0)),
            pl.BlockSpec((VBLK, 3, ROW), lambda i: (i, 0, 0)),
        ],
        out_specs=(
            pl.BlockSpec((VBLK, 3, 30), lambda i: (i, 0, 0)),
            pl.BlockSpec((30, N_VERTS * 3), lambda i: (0, 0)),
        ),
    )(sd, g)
    return comp, prep

# --- scband reference (transcript-rebuilt; emitter-appended) ---
"""Pipeline reference for scband-learnable-shapedirs-65798898975486 (READ-ONLY COPY).

The authoritative reference and input builder live on the scoring server;
editing this copy changes nothing except your own understanding.
"""

import jax, jax.numpy as jnp
import numpy as np

N_VERTS = 3889
N_CENTER = 889
N_LEFT = 1500
N_BETAS = 30
N_FIXED = 10
N_SD = N_BETAS - N_FIXED  # 20


def _build_inds_back():
    rng = np.random.default_rng(0)
    perm = rng.permutation(N_VERTS)
    center = perm[:N_CENTER]
    left = perm[N_CENTER:N_CENTER + N_LEFT]
    right = perm[N_CENTER + N_LEFT:]
    inds_back = np.zeros(N_VERTS, dtype=np.int64)
    inds_back[center] = np.arange(N_CENTER)
    inds_back[left] = N_CENTER + np.arange(N_LEFT)
    inds_back[right] = N_CENTER + N_LEFT + np.arange(N_LEFT)
    return inds_back


def setup_inputs(seed: int = 0) -> dict:
    key = jax.random.key(seed)
    ks = jax.random.split(key, 6)
    c0 = jax.random.normal(ks[0], (N_CENTER, N_SD), dtype=jnp.float32) * 0.01
    c2 = jax.random.normal(ks[1], (N_CENTER, N_SD), dtype=jnp.float32) * 0.01
    l0 = jax.random.normal(ks[2], (N_LEFT, N_SD), dtype=jnp.float32) * 0.01
    l1 = jax.random.normal(ks[3], (N_LEFT, N_SD), dtype=jnp.float32) * 0.01
    l2 = jax.random.normal(ks[4], (N_LEFT, N_SD), dtype=jnp.float32) * 0.01
    sd = jax.random.normal(ks[5], (N_VERTS, 3, N_BETAS), dtype=jnp.float32) * 0.01
    inds_back = jnp.asarray(_build_inds_back(), dtype=jnp.int64)
    return {"c0": c0, "c2": c2, "l0": l0, "l1": l1, "l2": l2, "sd": sd, "inds_back": inds_back}


def reference(c0, c2, l0, l1, l2, sd, inds_back):
    half_shapedirs_center = jnp.stack((c0, jnp.zeros((N_CENTER, N_SD), dtype=c0.dtype), c2), axis=1)
    half_shapedirs_left = jnp.stack((l0, l1, l2), axis=1)
    half_shapedirs_right = jnp.stack((l0, -l1, l2), axis=1)
    half_shapedirs_tot = jnp.concatenate((half_shapedirs_center, half_shapedirs_left, half_shapedirs_right), axis=0)
    shapedirs = jnp.take(half_shapedirs_tot, inds_back, axis=0)
    shapedirs_complete = jnp.concatenate((sd[:, :, :N_FIXED], shapedirs), axis=2)
    shapedirs_complete_prepared = jnp.concatenate((sd[:, :, :10], shapedirs), axis=2).reshape((-1, 30)).transpose((1, 0))
    return (shapedirs_complete, shapedirs_complete_prepared)

if __name__ == "__main__":
    import jax
    _d = setup_inputs()
    print(jax.jit(kernel)(*tuple(_d.values())))

</pallas_src>

<mosaic_0001>
#map = affine_map<(d0, d1) -> (0, 0)>
#map1 = affine_map<(d0, d1) -> (0, 0, 0)>
module attributes {stable_mosaic.version = 14 : i64} {
  func.func @_sc_gather(%arg0: i32, %arg1: i32, %arg2: memref<3889x128xf32, #tpu.memory_space<hbm>>, %arg3: memref<32x128xi32, #tpu.memory_space<hbm>>, %arg4: memref<4096x3x128xf32, #tpu.memory_space<hbm>>, %arg5: memref<128xi32, #tpu.memory_space<vmem>>, %arg6: memref<128x128xf32, #tpu.memory_space<vmem>>, %arg7: memref<!tpu.dma_semaphore, #tpu.memory_space<semaphore_mem>>, %arg8: memref<!tpu.dma_semaphore, #tpu.memory_space<semaphore_mem>>, %arg9: memref<!tpu.dma_semaphore, #tpu.memory_space<semaphore_mem>>) attributes {dimension_semantics = [#tpu.dimension_semantics<core_parallel>, #tpu.dimension_semantics<subcore_parallel>], iteration_bounds = array<i64: 2, 16>, scalar_prefetch = 0 : i64, scratch_operands = 5 : i64, tpu.core_type = #tpu.core_type<sc_vector_subcore>, window_params = [{transform_indices = #map}, {transform_indices = #map}, {transform_indices = #map1}]} {
    %mul3A = arith.constant 2 : i32
    %mul3A_0 = arith.muli %arg1, %mul3A : i32
    %add3A = arith.addi %mul3A_0, %arg0 : i32
    %mul3A_1 = arith.constant 128 : i32
    %mul3A_2 = arith.muli %add3A, %mul3A_1 : i32
    "tpu.region"() ({
      %run_scoped3A = tpu.sem_alloc : memref<!tpu.dma_semaphore, #tpu.memory_space<semaphore_mem>>
      %dma_start3A_195 = arith.constant 0 : i32
      %dma_start3A_196 = tpu.memref_slice %arg3[%add3A, %dma_start3A_195] : memref<32x128xi32, #tpu.memory_space<hbm>> -> memref<1x128xi32, #tpu.memory_space<hbm>>
      %dma_start3A_197 = tpu.memref_squeeze %dma_start3A_196 : memref<1x128xi32, #tpu.memory_space<hbm>> -> memref<128xi32, #tpu.memory_space<hbm>>
      %dma_start3A_198 = arith.constant 0 : i32
      %dma_start3A_199 = tpu.memref_slice %arg3[%add3A, %dma_start3A_198] : memref<32x128xi32, #tpu.memory_space<hbm>> -> memref<1x128xi32, #tpu.memory_space<hbm>>
      %dma_start3A_200 = tpu.memref_squeeze %dma_start3A_199 : memref<1x128xi32, #tpu.memory_space<hbm>> -> memref<128xi32, #tpu.memory_space<hbm>>
      tpu.enqueue_dma source(%dma_start3A_200 : memref<128xi32, #tpu.memory_space<hbm>>) target(%arg5 : memref<128xi32, #tpu.memory_space<vmem>>) target_semaphore(%run_scoped3A : memref<!tpu.dma_semaphore, #tpu.memory_space<semaphore_mem>>)
      %dma_wait3A_201 = arith.constant 0 : i32
      %dma_wait3A_202 = tpu.memref_slice %arg3[%add3A, %dma_wait3A_201] : memref<32x128xi32, #tpu.memory_space<hbm>> -> memref<1x128xi32, #tpu.memory_space<hbm>>
      %dma_wait3A_203 = tpu.memref_squeeze %dma_wait3A_202 : memref<1x128xi32, #tpu.memory_space<hbm>> -> memref<128xi32, #tpu.memory_space<hbm>>
      %dma_wait3A_204 = arith.constant 0 : i32
      %dma_wait3A_205 = tpu.memref_slice %arg3[%add3A, %dma_wait3A_204] : memref<32x128xi32, #tpu.memory_space<hbm>> -> memref<1x128xi32, #tpu.memory_space<hbm>>
      %dma_wait3A_206 = tpu.memref_squeeze %dma_wait3A_205 : memref<1x128xi32, #tpu.memory_space<hbm>> -> memref<128xi32, #tpu.memory_space<hbm>>
      tpu.wait_dma2 semaphore(%run_scoped3A : memref<!tpu.dma_semaphore, #tpu.memory_space<semaphore_mem>>) src(%dma_wait3A_206 : memref<128xi32, #tpu.memory_space<hbm>>) dst(%arg5 : memref<128xi32, #tpu.memory_space<vmem>>)
      tpu.yield
    }) : () -> ()
    %dma_start3A = arith.constant 0 : i32
    %dma_start3A_3 = arith.constant 0 : i32
    %dma_start3A_4 = tpu.memref_slice %arg6[%dma_start3A, %dma_start3A_3] : memref<128x128xf32, #tpu.memory_space<vmem>> -> memref<64x128xf32, #tpu.memory_space<vmem>>
    %dma_start3A_5 = arith.constant 0 : i32
    %dma_start3A_6 = tpu.memref_slice %arg5[%dma_start3A_5] : memref<128xi32, #tpu.memory_space<vmem>> -> memref<64xi32, #tpu.memory_space<vmem>>
    %dma_start3A_7 = arith.constant 0 : i32
    %dma_start3A_8 = arith.constant 0 : i32
    %dma_start3A_9 = tpu.memref_slice %arg2[%dma_start3A_7, %dma_start3A_8] : memref<3889x128xf32, #tpu.memory_space<hbm>> -> memref<3889x128xf32, #tpu.memory_space<hbm>>
    tpu.enqueue_indirect_dma source(%dma_start3A_9 : memref<3889x128xf32, #tpu.memory_space<hbm>>) target(%dma_start3A_4 : memref<64x128xf32, #tpu.memory_space<vmem>>) offsets(%dma_start3A_6 : memref<64xi32, #tpu.memory_space<vmem>>) semaphore(%arg7 : memref<!tpu.dma_semaphore, #tpu.memory_space<semaphore_mem>>)
    %dma_start3A_10 = arith.constant 64 : i32
    %dma_start3A_11 = arith.constant 0 : i32
    %dma_start3A_12 = tpu.memref_slice %arg6[%dma_start3A_10, %dma_start3A_11] : memref<128x128xf32, #tpu.memory_space<vmem>> -> memref<64x128xf32, #tpu.memory_space<vmem>>
    %dma_start3A_13 = arith.constant 64 : i32
    %dma_start3A_14 = tpu.memref_slice %arg5[%dma_start3A_13] : memref<128xi32, #tpu.memory_space<vmem>> -> memref<64xi32, #tpu.memory_space<vmem>>
    %dma_start3A_15 = arith.constant 0 : i32
    %dma_start3A_16 = arith.constant 0 : i32
    %dma_start3A_17 = tpu.memref_slice %arg2[%dma_start3A_15, %dma_start3A_16] : memref<3889x128xf32, #tpu.memory_space<hbm>> -> memref<3889x128xf32, #tpu.memory_space<hbm>>
    tpu.enqueue_indirect_dma source(%dma_start3A_17 : memref<3889x128xf32, #tpu.memory_space<hbm>>) target(%dma_start3A_12 : memref<64x128xf32, #tpu.memory_space<vmem>>) offsets(%dma_start3A_14 : memref<64xi32, #tpu.memory_space<vmem>>) semaphore(%arg8 : memref<!tpu.dma_semaphore, #tpu.memory_space<semaphore_mem>>)
    %dma_wait3A = arith.constant 0 : i32
    %dma_wait3A_18 = arith.constant 0 : i32
    %dma_wait3A_19 = tpu.memref_slice %arg6[%dma_wait3A, %dma_wait3A_18] : memref<128x128xf32, #tpu.memory_space<vmem>> -> memref<64x128xf32, #tpu.memory_space<vmem>>
    %dma_wait3A_20 = arith.constant 0 : i32
    %dma_wait3A_21 = tpu.memref_slice %arg5[%dma_wait3A_20] : memref<128xi32, #tpu.memory_space<vmem>> -> memref<64xi32, #tpu.memory_space<vmem>>
    %dma_wait3A_22 = arith.constant 0 : i32
    %dma_wait3A_23 = arith.constant 0 : i32
    %dma_wait3A_24 = tpu.memref_slice %arg2[%dma_wait3A_22, %dma_wait3A_23] : memref<3889x128xf32, #tpu.memory_space<hbm>> -> memref<3889x128xf32, #tpu.memory_space<hbm>>
    tpu.wait_indirect_dma semaphore(%arg7 : memref<!tpu.dma_semaphore, #tpu.memory_space<semaphore_mem>>) src(%dma_wait3A_24 : memref<3889x128xf32, #tpu.memory_space<hbm>>) dst(%dma_wait3A_19 : memref<64x128xf32, #tpu.memory_space<vmem>>)
    %dma_start3A_25 = arith.constant 0 : i32
    %dma_start3A_26 = arith.constant 0 : i32
    %dma_start3A_27 = arith.constant 0 : i32
    %dma_start3A_28 = tpu.memref_slice %arg6[%dma_start3A_26, %dma_start3A_27] : memref<128x128xf32, #tpu.memory_space<vmem>> -> memref<64x32xf32, #tpu.memory_space<vmem>>
    %dma_start3A_29 = arith.constant 0 : i32
    %dma_start3A_30 = tpu.memref_slice %arg4[%mul3A_2, %dma_start3A_25, %dma_start3A_29] : memref<4096x3x128xf32, #tpu.memory_space<hbm>> -> memref<64x1x32xf32, #tpu.memory_space<hbm>>
    %dma_start3A_31 = tpu.memref_squeeze %dma_start3A_30 : memref<64x1x32xf32, #tpu.memory_space<hbm>> -> memref<64x32xf32, #tpu.memory_space<hbm>>
    %dma_start3A_32 = arith.constant 0 : i32
    %dma_start3A_33 = tpu.memref_slice %arg4[%mul3A_2, %dma_start3A_25, %dma_start3A_32] : memref<4096x3x128xf32, #tpu.memory_space<hbm>> -> memref<64x1x32xf32, #tpu.memory_space<hbm>>
    %dma_start3A_34 = tpu.memref_squeeze %dma_start3A_33 : memref<64x1x32xf32, #tpu.memory_space<hbm>> -> memref<64x32xf32, #tpu.memory_space<hbm>>
    %dma_start3A_35 = arith.constant 0 : i32
    %dma_start3A_36 = arith.constant 0 : i32
    %dma_start3A_37 = tpu.memref_slice %arg6[%dma_start3A_35, %dma_start3A_36] : memref<128x128xf32, #tpu.memory_space<vmem>> -> memref<64x32xf32, #tpu.memory_space<vmem>>
    tpu.enqueue_dma source(%dma_start3A_37 : memref<64x32xf32, #tpu.memory_space<vmem>>) target(%dma_start3A_34 : memref<64x32xf32, #tpu.memory_space<hbm>>) target_semaphore(%arg9 : memref<!tpu.dma_semaphore, #tpu.memory_space<semaphore_mem>>)
    %dma_start3A_38 = arith.constant 1 : i32
    %dma_start3A_39 = arith.constant 0 : i32
    %dma_start3A_40 = arith.constant 32 : i32
    %dma_start3A_41 = tpu.memref_slice %arg6[%dma_start3A_39, %dma_start3A_40] : memref<128x128xf32, #tpu.memory_space<vmem>> -> memref<64x32xf32, #tpu.memory_space<vmem>>
    %dma_start3A_42 = arith.constant 0 : i32
    %dma_start3A_43 = tpu.memref_slice %arg4[%mul3A_2, %dma_start3A_38, %dma_start3A_42] : memref<4096x3x128xf32, #tpu.memory_space<hbm>> -> memref<64x1x32xf32, #tpu.memory_space<hbm>>
    %dma_start3A_44 = tpu.memref_squeeze %dma_start3A_43 : memref<64x1x32xf32, #tpu.memory_space<hbm>> -> memref<64x32xf32, #tpu.memory_space<hbm>>
    %dma_start3A_45 = arith.constant 0 : i32
    %dma_start3A_46 = tpu.memref_slice %arg4[%mul3A_2, %dma_start3A_38, %dma_start3A_45] : memref<4096x3x128xf32, #tpu.memory_space<hbm>> -> memref<64x1x32xf32, #tpu.memory_space<hbm>>
    %dma_start3A_47 = tpu.memref_squeeze %dma_start3A_46 : memref<64x1x32xf32, #tpu.memory_space<hbm>> -> memref<64x32xf32, #tpu.memory_space<hbm>>
    %dma_start3A_48 = arith.constant 0 : i32
    %dma_start3A_49 = arith.constant 32 : i32
    %dma_start3A_50 = tpu.memref_slice %arg6[%dma_start3A_48, %dma_start3A_49] : memref<128x128xf32, #tpu.memory_space<vmem>> -> memref<64x32xf32, #tpu.memory_space<vmem>>
    tpu.enqueue_dma source(%dma_start3A_50 : memref<64x32xf32, #tpu.memory_space<vmem>>) target(%dma_start3A_47 : memref<64x32xf32, #tpu.memory_space<hbm>>) target_semaphore(%arg9 : memref<!tpu.dma_semaphore, #tpu.memory_space<semaphore_mem>>)
    %dma_start3A_51 = arith.constant 2 : i32
    %dma_start3A_52 = arith.constant 0 : i32
    %dma_start3A_53 = arith.constant 64 : i32
    %dma_start3A_54 = tpu.memref_slice %arg6[%dma_start3A_52, %dma_start3A_53] : memref<128x128xf32, #tpu.memory_space<vmem>> -> memref<64x32xf32, #tpu.memory_space<vmem>>
    %dma_start3A_55 = arith.constant 0 : i32
    %dma_start3A_56 = tpu.memref_slice %arg4[%mul3A_2, %dma_start3A_51, %dma_start3A_55] : memref<4096x3x128xf32, #tpu.memory_space<hbm>> -> memref<64x1x32xf32, #tpu.memory_space<hbm>>
    %dma_start3A_57 = tpu.memref_squeeze %dma_start3A_56 : memref<64x1x32xf32, #tpu.memory_space<hbm>> -> memref<64x32xf32, #tpu.memory_space<hbm>>
    %dma_start3A_58 = arith.constant 0 : i32
    %dma_start3A_59 = tpu.memref_slice %arg4[%mul3A_2, %dma_start3A_51, %dma_start3A_58] : memref<4096x3x128xf32, #tpu.memory_space<hbm>> -> memref<64x1x32xf32, #tpu.memory_space<hbm>>
    %dma_start3A_60 = tpu.memref_squeeze %dma_start3A_59 : memref<64x1x32xf32, #tpu.memory_space<hbm>> -> memref<64x32xf32, #tpu.memory_space<hbm>>
    %dma_start3A_61 = arith.constant 0 : i32
    %dma_start3A_62 = arith.constant 64 : i32
    %dma_start3A_63 = tpu.memref_slice %arg6[%dma_start3A_61, %dma_start3A_62] : memref<128x128xf32, #tpu.memory_space<vmem>> -> memref<64x32xf32, #tpu.memory_space<vmem>>
    tpu.enqueue_dma source(%dma_start3A_63 : memref<64x32xf32, #tpu.memory_space<vmem>>) target(%dma_start3A_60 : memref<64x32xf32, #tpu.memory_space<hbm>>) target_semaphore(%arg9 : memref<!tpu.dma_semaphore, #tpu.memory_space<semaphore_mem>>)
    %dma_wait3A_64 = arith.constant 64 : i32
    %dma_wait3A_65 = arith.constant 0 : i32
    %dma_wait3A_66 = tpu.memref_slice %arg6[%dma_wait3A_64, %dma_wait3A_65] : memref<128x128xf32, #tpu.memory_space<vmem>> -> memref<64x128xf32, #tpu.memory_space<vmem>>
    %dma_wait3A_67 = arith.constant 64 : i32
    %dma_wait3A_68 = tpu.memref_slice %arg5[%dma_wait3A_67] : memref<128xi32, #tpu.memory_space<vmem>> -> memref<64xi32, #tpu.memory_space<vmem>>
    %dma_wait3A_69 = arith.constant 0 : i32
    %dma_wait3A_70 = arith.constant 0 : i32
    %dma_wait3A_71 = tpu.memref_slice %arg2[%dma_wait3A_69, %dma_wait3A_70] : memref<3889x128xf32, #tpu.memory_space<hbm>> -> memref<3889x128xf32, #tpu.memory_space<hbm>>
    tpu.wait_indirect_dma semaphore(%arg8 : memref<!tpu.dma_semaphore, #tpu.memory_space<semaphore_mem>>) src(%dma_wait3A_71 : memref<3889x128xf32, #tpu.memory_space<hbm>>) dst(%dma_wait3A_66 : memref<64x128xf32, #tpu.memory_space<vmem>>)
    %add3A_72 = arith.constant 64 : i32
    %add3A_73 = arith.addi %mul3A_2, %add3A_72 : i32
    %dma_start3A_74 = arith.constant 0 : i32
    %dma_start3A_75 = arith.constant 64 : i32
    %dma_start3A_76 = arith.constant 0 : i32
    %dma_start3A_77 = tpu.memref_slice %arg6[%dma_start3A_75, %dma_start3A_76] : memref<128x128xf32, #tpu.memory_space<vmem>> -> memref<64x32xf32, #tpu.memory_space<vmem>>
    %dma_start3A_78 = arith.constant 0 : i32
    %dma_start3A_79 = tpu.memref_slice %arg4[%add3A_73, %dma_start3A_74, %dma_start3A_78] : memref<4096x3x128xf32, #tpu.memory_space<hbm>> -> memref<64x1x32xf32, #tpu.memory_space<hbm>>
    %dma_start3A_80 = tpu.memref_squeeze %dma_start3A_79 : memref<64x1x32xf32, #tpu.memory_space<hbm>> -> memref<64x32xf32, #tpu.memory_space<hbm>>
    %dma_start3A_81 = arith.constant 0 : i32
    %dma_start3A_82 = tpu.memref_slice %arg4[%add3A_73, %dma_start3A_74, %dma_start3A_81] : memref<4096x3x128xf32, #tpu.memory_space<hbm>> -> memref<64x1x32xf32, #tpu.memory_space<hbm>>
    %dma_start3A_83 = tpu.memref_squeeze %dma_start3A_82 : memref<64x1x32xf32, #tpu.memory_space<hbm>> -> memref<64x32xf32, #tpu.memory_space<hbm>>
    %dma_start3A_84 = arith.constant 64 : i32
    %dma_start3A_85 = arith.constant 0 : i32
    %dma_start3A_86 = tpu.memref_slice %arg6[%dma_start3A_84, %dma_start3A_85] : memref<128x128xf32, #tpu.memory_space<vmem>> -> memref<64x32xf32, #tpu.memory_space<vmem>>
    tpu.enqueue_dma source(%dma_start3A_86 : memref<64x32xf32, #tpu.memory_space<vmem>>) target(%dma_start3A_83 : memref<64x32xf32, #tpu.memory_space<hbm>>) target_semaphore(%arg9 : memref<!tpu.dma_semaphore, #tpu.memory_space<semaphore_mem>>)
    %add3A_87 = arith.constant 64 : i32
    %add3A_88 = arith.addi %mul3A_2, %add3A_87 : i32
    %dma_start3A_89 = arith.constant 1 : i32
    %dma_start3A_90 = arith.constant 64 : i32
    %dma_start3A_91 = arith.constant 32 : i32
    %dma_start3A_92 = tpu.memref_slice %arg6[%dma_start3A_90, %dma_start3A_91] : memref<128x128xf32, #tpu.memory_space<vmem>> -> memref<64x32xf32, #tpu.memory_space<vmem>>
    %dma_start3A_93 = arith.constant 0 : i32
    %dma_start3A_94 = tpu.memref_slice %arg4[%add3A_88, %dma_start3A_89, %dma_start3A_93] : memref<4096x3x128xf32, #tpu.memory_space<hbm>> -> memref<64x1x32xf32, #tpu.memory_space<hbm>>
    %dma_start3A_95 = tpu.memref_squeeze %dma_start3A_94 : memref<64x1x32xf32, #tpu.memory_space<hbm>> -> memref<64x32xf32, #tpu.memory_space<hbm>>
    %dma_start3A_96 = arith.constant 0 : i32
    %dma_start3A_97 = tpu.memref_slice %arg4[%add3A_88, %dma_start3A_89, %dma_start3A_96] : memref<4096x3x128xf32, #tpu.memory_space<hbm>> -> memref<64x1x32xf32, #tpu.memory_space<hbm>>
    %dma_start3A_98 = tpu.memref_squeeze %dma_start3A_97 : memref<64x1x32xf32, #tpu.memory_space<hbm>> -> memref<64x32xf32, #tpu.memory_space<hbm>>
    %dma_start3A_99 = arith.constant 64 : i32
    %dma_start3A_100 = arith.constant 32 : i32
    %dma_start3A_101 = tpu.memref_slice %arg6[%dma_start3A_99, %dma_start3A_100] : memref<128x128xf32, #tpu.memory_space<vmem>> -> memref<64x32xf32, #tpu.memory_space<vmem>>
    tpu.enqueue_dma source(%dma_start3A_101 : memref<64x32xf32, #tpu.memory_space<vmem>>) target(%dma_start3A_98 : memref<64x32xf32, #tpu.memory_space<hbm>>) target_semaphore(%arg9 : memref<!tpu.dma_semaphore, #tpu.memory_space<semaphore_mem>>)
    %add3A_102 = arith.constant 64 : i32
    %add3A_103 = arith.addi %mul3A_2, %add3A_102 : i32
    %dma_start3A_104 = arith.constant 2 : i32
    %dma_start3A_105 = arith.constant 64 : i32
    %dma_start3A_106 = arith.constant 64 : i32
    %dma_start3A_107 = tpu.memref_slice %arg6[%dma_start3A_105, %dma_start3A_106] : memref<128x128xf32, #tpu.memory_space<vmem>> -> memref<64x32xf32, #tpu.memory_space<vmem>>
    %dma_start3A_108 = arith.constant 0 : i32
    %dma_start3A_109 = tpu.memref_slice %arg4[%add3A_103, %dma_start3A_104, %dma_start3A_108] : memref<4096x3x128xf32, #tpu.memory_space<hbm>> -> memref<64x1x32xf32, #tpu.memory_space<hbm>>
    %dma_start3A_110 = tpu.memref_squeeze %dma_start3A_109 : memref<64x1x32xf32, #tpu.memory_space<hbm>> -> memref<64x32xf32, #tpu.memory_space<hbm>>
    %dma_start3A_111 = arith.constant 0 : i32
    %dma_start3A_112 = tpu.memref_slice %arg4[%add3A_103, %dma_start3A_104, %dma_start3A_111] : memref<4096x3x128xf32, #tpu.memory_space<hbm>> -> memref<64x1x32xf32, #tpu.memory_space<hbm>>
    %dma_start3A_113 = tpu.memref_squeeze %dma_start3A_112 : memref<64x1x32xf32, #tpu.memory_space<hbm>> -> memref<64x32xf32, #tpu.memory_space<hbm>>
    %dma_start3A_114 = arith.constant 64 : i32
    %dma_start3A_115 = arith.constant 64 : i32
    %dma_start3A_116 = tpu.memref_slice %arg6[%dma_start3A_114, %dma_start3A_115] : memref<128x128xf32, #tpu.memory_space<vmem>> -> memref<64x32xf32, #tpu.memory_space<vmem>>
    tpu.enqueue_dma source(%dma_start3A_116 : memref<64x32xf32, #tpu.memory_space<vmem>>) target(%dma_start3A_113 : memref<64x32xf32, #tpu.memory_space<hbm>>) target_semaphore(%arg9 : memref<!tpu.dma_semaphore, #tpu.memory_space<semaphore_mem>>)
    %dma_wait3A_117 = arith.constant 0 : i32
    %dma_wait3A_118 = arith.constant 0 : i32
    %dma_wait3A_119 = arith.constant 0 : i32
    %dma_wait3A_120 = tpu.memref_slice %arg6[%dma_wait3A_118, %dma_wait3A_119] : memref<128x128xf32, #tpu.memory_space<vmem>> -> memref<64x32xf32, #tpu.memory_space<vmem>>
    %dma_wait3A_121 = arith.constant 0 : i32
    %dma_wait3A_122 = tpu.memref_slice %arg4[%mul3A_2, %dma_wait3A_117, %dma_wait3A_121] : memref<4096x3x128xf32, #tpu.memory_space<hbm>> -> memref<64x1x32xf32, #tpu.memory_space<hbm>>
    %dma_wait3A_123 = tpu.memref_squeeze %dma_wait3A_122 : memref<64x1x32xf32, #tpu.memory_space<hbm>> -> memref<64x32xf32, #tpu.memory_space<hbm>>
    %dma_wait3A_124 = arith.constant 0 : i32
    %dma_wait3A_125 = tpu.memref_slice %arg4[%mul3A_2, %dma_wait3A_117, %dma_wait3A_124] : memref<4096x3x128xf32, #tpu.memory_space<hbm>> -> memref<64x1x32xf32, #tpu.memory_space<hbm>>
    %dma_wait3A_126 = tpu.memref_squeeze %dma_wait3A_125 : memref<64x1x32xf32, #tpu.memory_space<hbm>> -> memref<64x32xf32, #tpu.memory_space<hbm>>
    %dma_wait3A_127 = arith.constant 0 : i32
    %dma_wait3A_128 = arith.constant 0 : i32
    %dma_wait3A_129 = tpu.memref_slice %arg6[%dma_wait3A_127, %dma_wait3A_128] : memref<128x128xf32, #tpu.memory_space<vmem>> -> memref<64x32xf32, #tpu.memory_space<vmem>>
    tpu.wait_dma2 semaphore(%arg9 : memref<!tpu.dma_semaphore, #tpu.memory_space<semaphore_mem>>) src(%dma_wait3A_129 : memref<64x32xf32, #tpu.memory_space<vmem>>) dst(%dma_wait3A_126 : memref<64x32xf32, #tpu.memory_space<hbm>>)
    %dma_wait3A_130 = arith.constant 1 : i32
    %dma_wait3A_131 = arith.constant 0 : i32
    %dma_wait3A_132 = arith.constant 32 : i32
    %dma_wait3A_133 = tpu.memref_slice %arg6[%dma_wait3A_131, %dma_wait3A_132] : memref<128x128xf32, #tpu.memory_space<vmem>> -> memref<64x32xf32, #tpu.memory_space<vmem>>
    %dma_wait3A_134 = arith.constant 0 : i32
    %dma_wait3A_135 = tpu.memref_slice %arg4[%mul3A_2, %dma_wait3A_130, %dma_wait3A_134] : memref<4096x3x128xf32, #tpu.memory_space<hbm>> -> memref<64x1x32xf32, #tpu.memory_space<hbm>>
    %dma_wait3A_136 = tpu.memref_squeeze %dma_wait3A_135 : memref<64x1x32xf32, #tpu.memory_space<hbm>> -> memref<64x32xf32, #tpu.memory_space<hbm>>
    %dma_wait3A_137 = arith.constant 0 : i32
    %dma_wait3A_138 = tpu.memref_slice %arg4[%mul3A_2, %dma_wait3A_130, %dma_wait3A_137] : memref<4096x3x128xf32, #tpu.memory_space<hbm>> -> memref<64x1x32xf32, #tpu.memory_space<hbm>>
    %dma_wait3A_139 = tpu.memref_squeeze %dma_wait3A_138 : memref<64x1x32xf32, #tpu.memory_space<hbm>> -> memref<64x32xf32, #tpu.memory_space<hbm>>
    %dma_wait3A_140 = arith.constant 0 : i32
    %dma_wait3A_141 = arith.constant 32 : i32
    %dma_wait3A_142 = tpu.memref_slice %arg6[%dma_wait3A_140, %dma_wait3A_141] : memref<128x128xf32, #tpu.memory_space<vmem>> -> memref<64x32xf32, #tpu.memory_space<vmem>>
    tpu.wait_dma2 semaphore(%arg9 : memref<!tpu.dma_semaphore, #tpu.memory_space<semaphore_mem>>) src(%dma_wait3A_142 : memref<64x32xf32, #tpu.memory_space<vmem>>) dst(%dma_wait3A_139 : memref<64x32xf32, #tpu.memory_space<hbm>>)
    %dma_wait3A_143 = arith.constant 2 : i32
    %dma_wait3A_144 = arith.constant 0 : i32
    %dma_wait3A_145 = arith.constant 64 : i32
    %dma_wait3A_146 = tpu.memref_slice %arg6[%dma_wait3A_144, %dma_wait3A_145] : memref<128x128xf32, #tpu.memory_space<vmem>> -> memref<64x32xf32, #tpu.memory_space<vmem>>
    %dma_wait3A_147 = arith.constant 0 : i32
    %dma_wait3A_148 = tpu.memref_slice %arg4[%mul3A_2, %dma_wait3A_143, %dma_wait3A_147] : memref<4096x3x128xf32, #tpu.memory_space<hbm>> -> memref<64x1x32xf32, #tpu.memory_space<hbm>>
    %dma_wait3A_149 = tpu.memref_squeeze %dma_wait3A_148 : memref<64x1x32xf32, #tpu.memory_space<hbm>> -> memref<64x32xf32, #tpu.memory_space<hbm>>
    %dma_wait3A_150 = arith.constant 0 : i32
    %dma_wait3A_151 = tpu.memref_slice %arg4[%mul3A_2, %dma_wait3A_143, %dma_wait3A_150] : memref<4096x3x128xf32, #tpu.memory_space<hbm>> -> memref<64x1x32xf32, #tpu.memory_space<hbm>>
    %dma_wait3A_152 = tpu.memref_squeeze %dma_wait3A_151 : memref<64x1x32xf32, #tpu.memory_space<hbm>> -> memref<64x32xf32, #tpu.memory_space<hbm>>
    %dma_wait3A_153 = arith.constant 0 : i32
    %dma_wait3A_154 = arith.constant 64 : i32
    %dma_wait3A_155 = tpu.memref_slice %arg6[%dma_wait3A_153, %dma_wait3A_154] : memref<128x128xf32, #tpu.memory_space<vmem>> -> memref<64x32xf32, #tpu.memory_space<vmem>>
    tpu.wait_dma2 semaphore(%arg9 : memref<!tpu.dma_semaphore, #tpu.memory_space<semaphore_mem>>) src(%dma_wait3A_155 : memref<64x32xf32, #tpu.memory_space<vmem>>) dst(%dma_wait3A_152 : memref<64x32xf32, #tpu.memory_space<hbm>>)
    %dma_wait3A_156 = arith.constant 0 : i32
    %dma_wait3A_157 = arith.constant 64 : i32
    %dma_wait3A_158 = arith.constant 0 : i32
    %dma_wait3A_159 = tpu.memref_slice %arg6[%dma_wait3A_157, %dma_wait3A_158] : memref<128x128xf32, #tpu.memory_space<vmem>> -> memref<64x32xf32, #tpu.memory_space<vmem>>
    %dma_wait3A_160 = arith.constant 0 : i32
    %dma_wait3A_161 = tpu.memref_slice %arg4[%add3A_73, %dma_wait3A_156, %dma_wait3A_160] : memref<4096x3x128xf32, #tpu.memory_space<hbm>> -> memref<64x1x32xf32, #tpu.memory_space<hbm>>
    %dma_wait3A_162 = tpu.memref_squeeze %dma_wait3A_161 : memref<64x1x32xf32, #tpu.memory_space<hbm>> -> memref<64x32xf32, #tpu.memory_space<hbm>>
    %dma_wait3A_163 = arith.constant 0 : i32
    %dma_wait3A_164 = tpu.memref_slice %arg4[%add3A_73, %dma_wait3A_156, %dma_wait3A_163] : memref<4096x3x128xf32, #tpu.memory_space<hbm>> -> memref<64x1x32xf32, #tpu.memory_space<hbm>>
    %dma_wait3A_165 = tpu.memref_squeeze %dma_wait3A_164 : memref<64x1x32xf32, #tpu.memory_space<hbm>> -> memref<64x32xf32, #tpu.memory_space<hbm>>
    %dma_wait3A_166 = arith.constant 64 : i32
    %dma_wait3A_167 = arith.constant 0 : i32
    %dma_wait3A_168 = tpu.memref_slice %arg6[%dma_wait3A_166, %dma_wait3A_167] : memref<128x128xf32, #tpu.memory_space<vmem>> -> memref<64x32xf32, #tpu.memory_space<vmem>>
    tpu.wait_dma2 semaphore(%arg9 : memref<!tpu.dma_semaphore, #tpu.memory_space<semaphore_mem>>) src(%dma_wait3A_168 : memref<64x32xf32, #tpu.memory_space<vmem>>) dst(%dma_wait3A_165 : memref<64x32xf32, #tpu.memory_space<hbm>>)
    %dma_wait3A_169 = arith.constant 1 : i32
    %dma_wait3A_170 = arith.constant 64 : i32
    %dma_wait3A_171 = arith.constant 32 : i32
    %dma_wait3A_172 = tpu.memref_slice %arg6[%dma_wait3A_170, %dma_wait3A_171] : memref<128x128xf32, #tpu.memory_space<vmem>> -> memref<64x32xf32, #tpu.memory_space<vmem>>
    %dma_wait3A_173 = arith.constant 0 : i32
    %dma_wait3A_174 = tpu.memref_slice %arg4[%add3A_88, %dma_wait3A_169, %dma_wait3A_173] : memref<4096x3x128xf32, #tpu.memory_space<hbm>> -> memref<64x1x32xf32, #tpu.memory_space<hbm>>
    %dma_wait3A_175 = tpu.memref_squeeze %dma_wait3A_174 : memref<64x1x32xf32, #tpu.memory_space<hbm>> -> memref<64x32xf32, #tpu.memory_space<hbm>>
    %dma_wait3A_176 = arith.constant 0 : i32
    %dma_wait3A_177 = tpu.memref_slice %arg4[%add3A_88, %dma_wait3A_169, %dma_wait3A_176] : memref<4096x3x128xf32, #tpu.memory_space<hbm>> -> memref<64x1x32xf32, #tpu.memory_space<hbm>>
    %dma_wait3A_178 = tpu.memref_squeeze %dma_wait3A_177 : memref<64x1x32xf32, #tpu.memory_space<hbm>> -> memref<64x32xf32, #tpu.memory_space<hbm>>
    %dma_wait3A_179 = arith.constant 64 : i32
    %dma_wait3A_180 = arith.constant 32 : i32
    %dma_wait3A_181 = tpu.memref_slice %arg6[%dma_wait3A_179, %dma_wait3A_180] : memref<128x128xf32, #tpu.memory_space<vmem>> -> memref<64x32xf32, #tpu.memory_space<vmem>>
    tpu.wait_dma2 semaphore(%arg9 : memref<!tpu.dma_semaphore, #tpu.memory_space<semaphore_mem>>) src(%dma_wait3A_181 : memref<64x32xf32, #tpu.memory_space<vmem>>) dst(%dma_wait3A_178 : memref<64x32xf32, #tpu.memory_space<hbm>>)
    %dma_wait3A_182 = arith.constant 2 : i32
    %dma_wait3A_183 = arith.constant 64 : i32
    %dma_wait3A_184 = arith.constant 64 : i32
    %dma_wait3A_185 = tpu.memref_slice %arg6[%dma_wait3A_183, %dma_wait3A_184] : memref<128x128xf32, #tpu.memory_space<vmem>> -> memref<64x32xf32, #tpu.memory_space<vmem>>
    %dma_wait3A_186 = arith.constant 0 : i32
    %dma_wait3A_187 = tpu.memref_slice %arg4[%add3A_103, %dma_wait3A_182, %dma_wait3A_186] : memref<4096x3x128xf32, #tpu.memory_space<hbm>> -> memref<64x1x32xf32, #tpu.memory_space<hbm>>
    %dma_wait3A_188 = tpu.memref_squeeze %dma_wait3A_187 : memref<64x1x32xf32, #tpu.memory_space<hbm>> -> memref<64x32xf32, #tpu.memory_space<hbm>>
    %dma_wait3A_189 = arith.constant 0 : i32
    %dma_wait3A_190 = tpu.memref_slice %arg4[%add3A_103, %dma_wait3A_182, %dma_wait3A_189] : memref<4096x3x128xf32, #tpu.memory_space<hbm>> -> memref<64x1x32xf32, #tpu.memory_space<hbm>>
    %dma_wait3A_191 = tpu.memref_squeeze %dma_wait3A_190 : memref<64x1x32xf32, #tpu.memory_space<hbm>> -> memref<64x32xf32, #tpu.memory_space<hbm>>
    %dma_wait3A_192 = arith.constant 64 : i32
    %dma_wait3A_193 = arith.constant 64 : i32
    %dma_wait3A_194 = tpu.memref_slice %arg6[%dma_wait3A_192, %dma_wait3A_193] : memref<128x128xf32, #tpu.memory_space<vmem>> -> memref<64x32xf32, #tpu.memory_space<vmem>>
    tpu.wait_dma2 semaphore(%arg9 : memref<!tpu.dma_semaphore, #tpu.memory_space<semaphore_mem>>) src(%dma_wait3A_194 : memref<64x32xf32, #tpu.memory_space<vmem>>) dst(%dma_wait3A_191 : memref<64x32xf32, #tpu.memory_space<hbm>>)
    return
  }
}

module attributes {stable_mosaic.version = 14 : i64} {
  func.func @_build_table_body(%arg0: memref<6278x20xf32, #tpu.memory_space<vmem>>, %arg1: memref<3889xi32, #tpu.memory_space<vmem>>, %arg2: memref<3889x128xf32, #tpu.memory_space<vmem>>, %arg3: memref<32x128xi32, #tpu.memory_space<vmem>>) attributes {dimension_semantics = [], scalar_prefetch = 0 : i64, scratch_operands = 0 : i64, tpu.core_type = #tpu.core_type<tc>} {
    %get3A = arith.constant 0 : index
    %get3A_0 = arith.constant 0 : index
    %get3A_1 = vector.load %arg0[%get3A, %get3A_0] : memref<6278x20xf32, #tpu.memory_space<vmem>>, vector<889x20xf32>
    %get3A_2 = arith.constant 889 : index
    %get3A_3 = arith.constant 0 : index
    %get3A_4 = vector.load %arg0[%get3A_2, %get3A_3] : memref<6278x20xf32, #tpu.memory_space<vmem>>, vector<889x20xf32>
    %get3A_5 = arith.constant 1778 : index
    %get3A_6 = arith.constant 0 : index
    %get3A_7 = vector.load %arg0[%get3A_5, %get3A_6] : memref<6278x20xf32, #tpu.memory_space<vmem>>, vector<1500x20xf32>
    %get3A_8 = arith.constant 3278 : index
    %get3A_9 = arith.constant 0 : index
    %get3A_10 = vector.load %arg0[%get3A_8, %get3A_9] : memref<6278x20xf32, #tpu.memory_space<vmem>>, vector<1500x20xf32>
    %get3A_11 = arith.constant 4778 : index
    %get3A_12 = arith.constant 0 : index
    %get3A_13 = vector.load %arg0[%get3A_11, %get3A_12] : memref<6278x20xf32, #tpu.memory_space<vmem>>, vector<1500x20xf32>
    %swap3A = arith.constant 0 : index
    %swap3A_14 = arith.constant 10 : index
    %swap3A_15 = vector.load %arg2[%swap3A, %swap3A_14] : memref<3889x128xf32, #tpu.memory_space<vmem>>, vector<889x20xf32>
    tpu.vector_store %arg2[%swap3A, %swap3A_14], %get3A_1 {strides = array<i32>} : memref<3889x128xf32, #tpu.memory_space<vmem>>, vector<889x20xf32>,
    %broadcast_in_dim3A = arith.constant 0.000000e+00 : f32
    %broadcast_in_dim3A_16 = vector.broadcast %broadcast_in_dim3A : f32 to vector<889x20xf32>
    %swap3A_17 = arith.constant 0 : index
    %swap3A_18 = arith.constant 42 : index
    %swap3A_19 = vector.load %arg2[%swap3A_17, %swap3A_18] : memref<3889x128xf32, #tpu.memory_space<vmem>>, vector<889x20xf32>
    tpu.vector_store %arg2[%swap3A_17, %swap3A_18], %broadcast_in_dim3A_16 {strides = array<i32>} : memref<3889x128xf32, #tpu.memory_space<vmem>>, vector<889x20xf32>,
    %swap3A_20 = arith.constant 0 : index
    %swap3A_21 = arith.constant 74 : index
    %swap3A_22 = vector.load %arg2[%swap3A_20, %swap3A_21] : memref<3889x128xf32, #tpu.memory_space<vmem>>, vector<889x20xf32>
    tpu.vector_store %arg2[%swap3A_20, %swap3A_21], %get3A_4 {strides = array<i32>} : memref<3889x128xf32, #tpu.memory_space<vmem>>, vector<889x20xf32>,
    %swap3A_23 = arith.constant 889 : index
    %swap3A_24 = arith.constant 10 : index
    %swap3A_25 = vector.load %arg2[%swap3A_23, %swap3A_24] : memref<3889x128xf32, #tpu.memory_space<vmem>>, vector<1500x20xf32>
    tpu.vector_store %arg2[%swap3A_23, %swap3A_24], %get3A_7 {strides = array<i32>} : memref<3889x128xf32, #tpu.memory_space<vmem>>, vector<1500x20xf32>,
    %swap3A_26 = arith.constant 889 : index
    %swap3A_27 = arith.constant 42 : index
    %swap3A_28 = vector.load %arg2[%swap3A_26, %swap3A_27] : memref<3889x128xf32, #tpu.memory_space<vmem>>, vector<1500x20xf32>
    tpu.vector_store %arg2[%swap3A_26, %swap3A_27], %get3A_10 {strides = array<i32>} : memref<3889x128xf32, #tpu.memory_space<vmem>>, vector<1500x20xf32>,
    %swap3A_29 = arith.constant 889 : index
    %swap3A_30 = arith.constant 74 : index
    %swap3A_31 = vector.load %arg2[%swap3A_29, %swap3A_30] : memref<3889x128xf32, #tpu.memory_space<vmem>>, vector<1500x20xf32>
    tpu.vector_store %arg2[%swap3A_29, %swap3A_30], %get3A_13 {strides = array<i32>} : memref<3889x128xf32, #tpu.memory_space<vmem>>, vector<1500x20xf32>,
    %swap3A_32 = arith.constant 2389 : index
    %swap3A_33 = arith.constant 10 : index
    %swap3A_34 = vector.load %arg2[%swap3A_32, %swap3A_33] : memref<3889x128xf32, #tpu.memory_space<vmem>>, vector<1500x20xf32>
    tpu.vector_store %arg2[%swap3A_32, %swap3A_33], %get3A_7 {strides = array<i32>} : memref<3889x128xf32, #tpu.memory_space<vmem>>, vector<1500x20xf32>,
    %neg3A = arith.constant 0.000000e+00 : f32
    %neg3A_35 = vector.broadcast %neg3A : f32 to vector<1500x20xf32>
    %neg3A_36 = arith.subf %neg3A_35, %get3A_10 : vector<1500x20xf32>
    %swap3A_37 = arith.constant 2389 : index
    %swap3A_38 = arith.constant 42 : index
    %swap3A_39 = vector.load %arg2[%swap3A_37, %swap3A_38] : memref<3889x128xf32, #tpu.memory_space<vmem>>, vector<1500x20xf32>
    tpu.vector_store %arg2[%swap3A_37, %swap3A_38], %neg3A_36 {strides = array<i32>} : memref<3889x128xf32, #tpu.memory_space<vmem>>, vector<1500x20xf32>,
    %swap3A_40 = arith.constant 2389 : index
    %swap3A_41 = arith.constant 74 : index
    %swap3A_42 = vector.load %arg2[%swap3A_40, %swap3A_41] : memref<3889x128xf32, #tpu.memory_space<vmem>>, vector<1500x20xf32>
    tpu.vector_store %arg2[%swap3A_40, %swap3A_41], %get3A_13 {strides = array<i32>} : memref<3889x128xf32, #tpu.memory_space<vmem>>, vector<1500x20xf32>,
    %get3A_43 = arith.constant 0 : index
    %get3A_44 = vector.load %arg1[%get3A_43] : memref<3889xi32, #tpu.memory_space<vmem>>, vector<3889xi32>
    %broadcast_in_dim3A_45 = arith.constant 0 : i32
    %broadcast_in_dim3A_46 = vector.broadcast %broadcast_in_dim3A_45 : i32 to vector<207xi32>
    %concatenate3A = tpu.concatenate %get3A_44, %broadcast_in_dim3A_46 in 0 : vector<3889xi32>, vector<207xi32> -> vector<4096xi32>
    %reshape3A = vector.shape_cast %concatenate3A : vector<4096xi32> to vector<32x128xi32>
    %swap3A_47 = arith.constant 0 : index
    %swap3A_48 = arith.constant 0 : index
    %swap3A_49 = vector.load %arg3[%swap3A_47, %swap3A_48] : memref<32x128xi32, #tpu.memory_space<vmem>>, vector<32x128xi32>
    tpu.vector_store %arg3[%swap3A_47, %swap3A_48], %reshape3A {strides = array<i32>} : memref<32x128xi32, #tpu.memory_space<vmem>>, vector<32x128xi32>,
    return
  }
}

module attributes {stable_mosaic.version = 14 : i64} {
  func.func @_assemble_body(%arg0: i32, %arg1: memref<512x3x30xf32, #tpu.memory_space<vmem>>, %arg2: memref<512x3x128xf32, #tpu.memory_space<vmem>>, %arg3: memref<512x3x30xf32, #tpu.memory_space<vmem>>, %arg4: memref<30x11667xf32, #tpu.memory_space<vmem>>) attributes {dimension_semantics = [#tpu.dimension_semantics<arbitrary>], iteration_bounds = array<i64: 8>, scalar_prefetch = 0 : i64, scratch_operands = 0 : i64, tpu.core_type = #tpu.core_type<tc>, window_params = [{transform_indices = @transform_0, window_bounds = array<i64: 512, 3, 30>}, {transform_indices = @transform_1, window_bounds = array<i64: 512, 3, 128>}, {transform_indices = @transform_2, window_bounds = array<i64: 512, 3, 30>}, {pipeline_mode = #tpu.pipeline_mode<synchronous>, transform_indices = @transform_3, window_bounds = array<i64: 30, 11667>}]} {
    %get3A = arith.constant 0 : index
    %get3A_0 = arith.constant 0 : index
    %get3A_1 = arith.constant 0 : index
    %get3A_2 = vector.load %arg1[%get3A, %get3A_0, %get3A_1] : memref<512x3x30xf32, #tpu.memory_space<vmem>>, vector<512x3x10xf32>
    %get3A_3 = arith.constant 0 : index
    %get3A_4 = arith.constant 0 : index
    %get3A_5 = arith.constant 10 : index
    %get3A_6 = vector.load %arg2[%get3A_3, %get3A_4, %get3A_5] : memref<512x3x128xf32, #tpu.memory_space<vmem>>, vector<512x3x20xf32>
    %concatenate3A = tpu.concatenate %get3A_2, %get3A_6 in 2 : vector<512x3x10xf32>, vector<512x3x20xf32> -> vector<512x3x30xf32>
    %swap3A = arith.constant 0 : index
    %swap3A_7 = arith.constant 0 : index
    %swap3A_8 = arith.constant 0 : index
    %swap3A_9 = vector.load %arg3[%swap3A, %swap3A_7, %swap3A_8] : memref<512x3x30xf32, #tpu.memory_space<vmem>>, vector<512x3x30xf32>
    tpu.vector_store %arg3[%swap3A, %swap3A_7, %swap3A_8], %concatenate3A {strides = array<i32>} : memref<512x3x30xf32, #tpu.memory_space<vmem>>, vector<512x3x30xf32>,
    %reshape3A = vector.shape_cast %concatenate3A : vector<512x3x30xf32> to vector<1536x30xf32>
    %iota3A = tpu.iota {dimensions = array<i32: 0>} : vector<30x30xi32>
    %iota3A_10 = tpu.iota {dimensions = array<i32: 1>} : vector<30x30xi32>
    %eq3A = arith.cmpi eq, %iota3A, %iota3A_10 : vector<30x30xi32>
    %convert_element_type3A = arith.extui %eq3A : vector<30x30xi1> to vector<30x30xi32>
    %convert_element_type3A_11 = arith.sitofp %convert_element_type3A : vector<30x30xi32> to vector<30x30xf32>
    %dot_general3A = arith.constant dense<0.000000e+00> : vector<30x1536xf32>
    %dot_general3A_12 = tpu.matmul %convert_element_type3A_11, %reshape3A, %dot_general3A {dimension_numbers = #tpu.dot_dimension_numbers<[1], [1], [0], [0], [0, 0, 1, 0], [], []>, transpose_lhs_hint = false} : vector<30x30xf32>, vector<1536x30xf32>, vector<30x1536xf32> -> vector<30x1536xf32>
    %lt3A = arith.constant 7 : i32
    %lt3A_13 = arith.cmpi slt, %arg0, %lt3A : i32
    %convert_element_type3A_14 = arith.extui %lt3A_13 : i1 to i32
    %cond3A = arith.constant 0 : i32
    %cond3A_15 = arith.cmpi ne, %convert_element_type3A_14, %cond3A : i32
    scf.if %cond3A_15 {
      %mul3A = arith.constant 512 : i32
      %mul3A_21 = arith.muli %arg0, %mul3A : i32
      %mul3A_22 = arith.constant 3 : i32
      %mul3A_23 = arith.muli %mul3A_21, %mul3A_22 : i32
      %swap3A_24 = arith.constant 0 : index
      %swap3A_25 = arith.index_cast %mul3A_23 : i32 to index
      %swap3A_26 = vector.load %arg4[%swap3A_24, %swap3A_25] : memref<30x11667xf32, #tpu.memory_space<vmem>>, vector<30x1536xf32>
      tpu.vector_store %arg4[%swap3A_24, %swap3A_25], %dot_general3A_12 {strides = array<i32>} : memref<30x11667xf32, #tpu.memory_space<vmem>>, vector<30x1536xf32>,
    } else {
    }
    %eq3A_16 = arith.constant 7 : i32
    %eq3A_17 = arith.cmpi eq, %arg0, %eq3A_16 : i32
    %convert_element_type3A_18 = arith.extui %eq3A_17 : i1 to i32
    %cond3A_19 = arith.constant 0 : i32
    %cond3A_20 = arith.cmpi ne, %convert_element_type3A_18, %cond3A_19 : i32
    scf.if %cond3A_20 {
      %slice3A = vector.extract_strided_slice %dot_general3A_12 {offsets = [0, 0], sizes = [30, 915], strides = [1, 1]} : vector<30x1536xf32> to vector<30x915xf32>
      %swap3A_21 = arith.constant 0 : index
      %swap3A_22 = arith.constant 10752 : index
      %swap3A_23 = vector.load %arg4[%swap3A_21, %swap3A_22] : memref<30x11667xf32, #tpu.memory_space<vmem>>, vector<30x915xf32>
      tpu.vector_store %arg4[%swap3A_21, %swap3A_22], %slice3A {strides = array<i32>} : memref<30x11667xf32, #tpu.memory_space<vmem>>, vector<30x915xf32>,
    } else {
    }
    return
  }
  func.func @transform_0(%arg0: i32) -> (i32, i32, i32) {
    %c0_i32 = arith.constant 0 : i32
    %c0_i32_0 = arith.constant 0 : i32
    %c0_i32_1 = arith.constant 0 : i32
    return %arg0, %c0_i32, %c0_i32_0 : i32, i32, i32
  }
  func.func @transform_1(%arg0: i32) -> (i32, i32, i32) {
    %c0_i32 = arith.constant 0 : i32
    %c0_i32_0 = arith.constant 0 : i32
    %c0_i32_1 = arith.constant 0 : i32
    return %arg0, %c0_i32, %c0_i32_0 : i32, i32, i32
  }
  func.func @transform_2(%arg0: i32) -> (i32, i32, i32) {
    %c0_i32 = arith.constant 0 : i32
    %c0_i32_0 = arith.constant 0 : i32
    %c0_i32_1 = arith.constant 0 : i32
    return %arg0, %c0_i32, %c0_i32_0 : i32, i32, i32
  }
  func.func @transform_3(%arg0: i32) -> (i32, i32) {
    %c0_i32 = arith.constant 0 : i32
    %c0_i32_0 = arith.constant 0 : i32
    %c0_i32_1 = arith.constant 0 : i32
    return %c0_i32, %c0_i32_0 : i32, i32
  }
}

</mosaic_0001>

<sc_bundles>
// kernel: kernel.5.cloned.1.call-start
scs
__scs_entry_jumppad:
0x0: {  	(pc) =	sbr.rel $0x88, $3  }
0x1: {  	(tag) =	ssettag $0x0;
	lr =	simm.s32 $0x1  }
0x2: {  	[smem:$0x3F9A] =	sst lr;
	_ =	strace $0xD0000000  }
0x3: {  	_ = 	snop  }
0x4: {  	_ = 	snop  }
0x5: {  	_ = 	snop  }
0x6: {  	_ = 	snop  }
0x7: {  	_ = 	snop  }
__scs_overlays_trampoline_lowered:
0x8: {  	[smem:$0x3FA9] =	sst s0  }
0x9: {  	[smem:$0x3FAA] =	sst s1  }
0xa: {  	[smem:$0x3FAB] =	sst s2  }
0xb: {  	[smem:$0x3FAC] =	sst s3  }
0xc: {  	[smem:$0x3FAD] =	sst s4  }
0xd: {  	[smem:$0x3FAE] =	sst s5  }
0xe: {  	[smem:$0x3FAF] =	sst s6  }
0xf: {  	[smem:$0x3FB0] =	sst s7  }
0x10: {  	[smem:$0x3FB1] =	sst s8  }
0x11: {  	[smem:$0x3FB2] =	sst s9;
	s0 =	simm.s32 @!p0 $0x0  }
0x12: {  	s1 =	sld [smem:$0x3F98];
	s0 =	simm.s32 @p0 $0x1  }
0x13: {  	[smem:$0x3FB3] =	sst s0;
	s0 =	simm.s32 @!p1 $0x0  }
0x14: {  	s2 =	sld [smem:$0x3F97];
	s0 =	simm.s32 @p1 $0x1  }
0x15: {  	[smem:$0x3FB4] =	sst s0;
	s0 =	simm.s32 @!p2 $0x0  }
0x16: {  	s3 =	sld [smem:$0x3FDB];
	s0 =	simm.s32 @p2 $0x1  }
0x17: {  	s4 =	simm.s32 $0x1BF5;
	[smem:$0x3FB6] =	sst s0  }
0x18: {  	s0 =	sld [smem:$0x3F99];
	_ =	swait.ge [sflag:s4], $0x0  }
0x19: {  	s7 =	sld [smem:$0x3F9A]  }
0x1a: {  	s8 =	sadd.s32 $0xFFFFE003, lr  }
0x1b: {  	s9 =	sadd.s32 $0xFFFFFEF7, lr;
	s5 =	simm.s32 $0xFFFFFFFF;
	p2 =	slt.u32 s8, $0xFFFFF086  }
0x1c: {  	p1 =	slt.u32 s9, $0xF7A;
	s5 =	simm.s32 @!p2 $0x0  }
0x1d: {  	s5 =	simm.s32 @p1 $0x1;
	p0 =	seq.s32 s7, s2  }
0x1e: {  	s7 =	smul.u32 @!p0 $0xF7A, s2;
	p2 =	seq.s32 @!p0 s5, $0x0  }
0x1f: {  	s9 =	smul.u32 $0xF7A, s1;
	s8 =	simm.s32 @!p0 $0x1BF5;
	p2 =	por !p2, p0  }
0x20: {  	[sflag:s8] =	ssyncset.s32 @!p0 $0xFFFFF086;
	s6 =	sadd.s32 @!p0 s3, s7;
	s7 =	simm.s32 @!p0 $0x108  }
0x21: {  	s3 =	sadd.s32 s3, s9;
	s6 =	sadd.s32 @!p0 $0x88, s6;
	s7 =	simm.s32 @p2 $0x1082  }
0x22: {  	[simem:s7], [sflag:s8] =	dma.local @!p0 [hbm:s6], $0xF7A  }
0x23: {  	s9 =	sor.u32 $0xD0000000, s2;
	s6 =	simm.s32 $0x108;
	_ =	swait.ge @!p0 [sflag:s8], $0x0  }
0x24: {  	s3 =	sadd.s32 $0x88, s3;
	s6 =	simm.s32 @!p1 $0x1082;
	[sflag:s4] =	ssyncset.s32 $0xFFFFF086  }
0x25: {  	[simem:s6], [sflag:s4] =	dma.local [hbm:s3], $0xF7A  }
0x26: {  	[smem:$0x3F9A] =	sst s1;
	(tag) =	ssettag s2;
	_ =	strace s9  }
0x27: {  	s1 =	sld [smem:$0x3FAA]  }
0x28: {  	s2 =	sld [smem:$0x3FAB]  }
0x29: {  	s4 =	sld [smem:$0x3FAD]  }
0x2a: {  	p0 =	seq.s32 s5, $0x0;
	s5 =	sld [smem:$0x3FAE]  }
0x2b: {  	s6 =	sld [smem:$0x3FAF]  }
0x2c: {  	s7 =	sld [smem:$0x3FB0]  }
0x2d: {  	s3 =	simm.s32 $0x108;
	s8 =	sld [smem:$0x3FB1]  }
0x2e: {  	s3 =	simm.s32 @!p0 $0x1082;
	s9 =	sld [smem:$0x3FB2]  }
0x2f: {  	lr =	sadd.s32 s0, s3;
	s0 =	sld [smem:$0x3FA9]  }
0x30: {  	s3 =	sld [smem:$0x3FAC]  }
0x31: {  	[smem:$0x3FB5] =	sst s10  }
0x32: {  	s10 =	sld [smem:$0x3FB3];
	_ =	sdelay $0x3  }
0x33: {  	p0 =	seq.s32 s10, $0x1;
	s10 =	sld [smem:$0x3FB5];
	_ =	sdelay $0x3  }
0x34: {  	[smem:$0x3FB5] =	sst s10  }
0x35: {  	s10 =	sld [smem:$0x3FB4];
	_ =	sdelay $0x3  }
0x36: {  	p1 =	seq.s32 s10, $0x1;
	s10 =	sld [smem:$0x3FB5];
	_ =	sdelay $0x3  }
0x37: {  	[smem:$0x3FB5] =	sst s10  }
0x38: {  	s10 =	sld [smem:$0x3FB6]  }
0x39: {  	_ = 	snop;
	(pc) =	sbr.ind lr, $3  }
0x3a: {  	_ = 	snop  }
0x3b: {  	_ = 	snop  }
0x3c: {  	p2 =	seq.s32 s10, $0x1;
	s10 =	sld [smem:$0x3FB5]  }
0x3d: {  	_ =	shalt  }
0x3e: {  	_ =	shalt  }
0x3f: {  	_ =	shalt  }
0x40: {  	_ =	shalt  }
0x41: {  	_ =	shalt  }
0x42: {  	_ =	shalt  }
0x43: {  	_ =	shalt  }
0x44: {  	_ =	shalt  }
0x45: {  	_ =	shalt  }
0x46: {  	_ =	shalt  }
0x47: {  	_ =	shalt  }
0x48: {  	_ =	shalt  }
0x49: {  	_ =	shalt  }
0x4a: {  	_ =	shalt  }
0x4b: {  	_ =	shalt  }
0x4c: {  	_ =	shalt  }
0x4d: {  	_ =	shalt  }
0x4e: {  	_ =	shalt  }
0x4f: {  	_ =	shalt  }
0x50: {  	_ =	shalt  }
0x51: {  	_ =	shalt  }
0x52: {  	_ =	shalt  }
0x53: {  	_ =	shalt  }
0x54: {  	_ =	shalt  }
0x55: {  	_ =	shalt  }
0x56: {  	_ =	shalt  }
0x57: {  	_ =	shalt  }
0x58: {  	_ =	shalt  }
0x59: {  	_ =	shalt  }
0x5a: {  	_ =	shalt  }
0x5b: {  	_ =	shalt  }
0x5c: {  	_ =	shalt  }
0x5d: {  	_ =	shalt  }
0x5e: {  	_ =	shalt  }
0x5f: {  	_ =	shalt  }
0x60: {  	_ =	shalt  }
0x61: {  	_ =	shalt  }
0x62: {  	_ =	shalt  }
0x63: {  	_ =	shalt  }
0x64: {  	_ =	shalt  }
0x65: {  	_ =	shalt  }
0x66: {  	_ =	shalt  }
0x67: {  	_ =	shalt  }
0x68: {  	_ =	shalt  }
0x69: {  	_ =	shalt  }
0x6a: {  	_ =	shalt  }
0x6b: {  	_ =	shalt  }
0x6c: {  	_ =	shalt  }
0x6d: {  	_ =	shalt  }
0x6e: {  	_ =	shalt  }
0x6f: {  	_ =	shalt  }
0x70: {  	_ =	shalt  }
0x71: {  	_ =	shalt  }
0x72: {  	_ =	shalt  }
0x73: {  	_ =	shalt  }
0x74: {  	_ =	shalt  }
0x75: {  	_ =	shalt  }
0x76: {  	_ =	shalt  }
0x77: {  	_ =	shalt  }
0x78: {  	_ =	shalt  }
0x79: {  	_ =	shalt  }
0x7a: {  	_ =	shalt  }
0x7b: {  	_ =	shalt  }
0x7c: {  	_ =	shalt  }
0x7d: {  	_ =	shalt  }
0x7e: {  	_ =	shalt  }
0x7f: {  	_ =	shalt  }
0x80: {  	_ =	shalt  }
0x81: {  	_ =	shalt  }
0x82: {  	_ =	shalt  }
0x83: {  	_ =	shalt  }
0x84: {  	_ =	shalt  }
0x85: {  	_ =	shalt  }
0x86: {  	_ =	shalt  }
0x87: {  	_ =	shalt  }
.Lfunc_end0:
.L_simem_size_0:
called_computation_lowered:
.L_overlay_start_0:
0x88: {  	s2 =	sld [smem:$0x3FD9]  }
0x89: {  	s3 =	sld [smem:$0x3FFE];
	_ =	sdelay $0x1  }
0x8a: {  	s1 =	srdreg.scid  }
0x8b: {  	s0 =	sand.u32 $0x1, s1  }
0x8c: {  	s14 =	sshll.u32 s0, $0xA;
	s2 =	sadd.s32 s3, s2  }
0x8d: {  	s2 =	sadd.s32 s2, s14  }
0x8e: {  	[smem:$0x3FC1] =	sst s2  }
0x8f: {  	_ = 	snop  }
0x90: {  	s2 =	sld [smem:$0x3FD0];
	_ =	sdelay $0x2  }
0x91: {  	s15 =	simm.s32 $0xA;
	s4 =	simm.s32 $0x10  }
0x92: {  	[smem:s4], [sflag:s15] =	dma.local [hbm:s2], $0x1  }
0x93: {  	_ =	swait.eq [sflag:s15], $0x1  }
0x94: {  	[sflag:s15] =	ssyncset.done $0x0  }
0x95: {  	[sflag:s15] =	ssyncadd.s32 $0xFFFFFFFF  }
0x96: {  	s16 =	sld [smem:$0x11];
	(tm) =	ssettm $0x1  }
0x97: {  	s17 =	sld [smem:$0x3FFB];
	_ =	sdelay $0x3  }
0x98: {  	_ =	strace s17  }
0x99: {  	s3 =	sld [smem:$0x3FFC];
	_ =	sdelay $0x3  }
0x9a: {  	_ =	strace s3  }
0x9b: {  	s3 =	sld [smem:$0x3FFD];
	_ =	sdelay $0x3  }
0x9c: {  	_ =	strace s3  }
0x9d: {  	_ =	strace $0x8FFFFFFF  }
0x9e: {  	s18 =	sld [smem:$0x3FDB];
	_ =	sdelay $0x1  }
0x9f: {  	s19 =	simm.s32 $_scs_section_size  }
0xa0: {  	s5 =	simm.s32 $_size__tile_overlayer_lowered;
	s6 =	simm.s32 $_tile_overlayer_lowered  }
0xa1: {  	s22 =	simm.s32 $0x1BFF;
	s21 =	sshll.u32 s6, $0x1;
	s3 =	sadd.s32 s19, s18  }
0xa2: {  	s7 =	simm.s32 $0x0;
	s20 =	sshll.u32 s5, $0x1;
	s5 =	sadd.s32 s21, s3  }
0xa3: {  	[timem:s7], [sflag:s22] =	dma.local [hbm:s5], s20  }
0xa4: {  	_ =	swait.ge [sflag:s22], s20  }
0xa5: {  	s4 =	ssub.s32 $0x0, s20;
	[sflag:s22] =	ssyncset.done $0x0  }
0xa6: {  	[sflag:s22] =	ssyncadd.s32 s4;
	_ =	sdelay $0x1  }
0xa7: {  	s23 =	simm.s32 $0x1B8B  }
0xa8: {  	_ =	swait.ge [sflag:s23], $0x1  }
0xa9: {  	[sflag:s23] =	ssyncset.done $0x0  }
0xaa: {  	s25 =	simm.s32 $0x1B8E;
	s24 =	sld [smem:$0x3FFE];
	[sflag:s23] =	ssyncadd.s32 $0xFFFFFFFF  }
0xab: {  	s26 =	simm.s32 $execute0_lowered;
	[smem:$0x3FD2] =	sst s25  }
0xac: {  	s5 =	sshll.u32 s26, $0x1;
	_ =	strace $0x80000046;
	[dreg:$0x1] =	wrdreg $0xFFFFFFFF  }
0xad: {  	s28 =	simm.s32 $_size_execute0_lowered;
	s3 =	sadd.s32 s3, s5;
	[dreg:$0x0] =	wrdreg $0x0  }
0xae: {  	s5 =	sshll.u32 s28, $0x1;
	[dreg:$0x2] =	wrdreg s3  }
0xaf: {  	[dreg:$0x3] =	wrdreg s5  }
0xb0: {  	[dreg:$0x4] =	wrdreg $0xC0  }
0xb1: {  	_ =	task [dreg:s7], $0x5FFFF  }
0xb2: {  	[dreg:$0x1] =	wrdreg $0xFFFFFFFF  }
0xb3: {  	[dreg:$0x0] =	wrdreg $0x60  }
0xb4: {  	[dreg:$0x2] =	wrdreg s24  }
0xb5: {  	[dreg:$0x3] =	wrdreg s16  }
0xb6: {  	[dreg:$0x4] =	wrdreg $0x9  }
0xb7: {  	_ =	task.clear_ibuf [dreg:s7], $0x5FFFF;
	_ =	strace $0x90000046  }
0xb8: {  	s29 =	simm.s32 $0x9;
	_ =	strace $0x80000048  }
0xb9: {  	_ =	swait.ge [sflag:s29], $0x1  }
0xba: {  	[sflag:s29] =	ssyncadd.s32 $0xFFFFFFFF  }
0xbb: {  	_ =	strace $0x90000048  }
0xbc: {  	_ =	sfence  }
0xbd: {  	s30 =	sld [smem:$0x0];
	_ =	sdelay $0x2  }
0xbe: {  	s31 =	sshll.u32 s1, $0xD;
	s1 =	sshrl.u32 s1, $0x2  }
0xbf: {  	s3 =	sand.u32 $0x4000, s31;
	s1 =	sadd.s32 s1, s30  }
0xc0: {  	s0 =	sor.u32 s3, s0;
	s1 =	sshll.u32 s1, $0x11  }
0xc1: {  	s0 =	sor.u32 s1, s0  }
0xc2: {  	s0 =	sadd.s32 $0x8F2B, s0  }
0xc3: {  	[sflag:s0] =	ssyncadd.remote.s32 $0x1  }
0xc4: {  	_ =	sfence.sel $0xFFFF  }
0xc5: {  	[dreg:$0x0] =	wrdreg $0xFFFFFFFF;
	(pc) =	sbr.abs _section_cstart, $3  }
0xc6: {  	[dreg:$0x1] =	wrdreg $0xFFFFFFFF  }
0xc7: {  	_ =	task.clear_ibuf [dreg:s7], $0x2FFFF;
	_ =	strace $0x9FFFFFFF  }
0xc8: {  	(tm) =	ssettm $0x7FFFFFFF  }
0xc9: {  	_ =	shalt  }
tec
execute0_lowered:
.L_overlay_start_1:
0x0: {  	(tag) =	ssettag $0x1  }
0x1: {  	s4 =	rddreg [dreg:$0x0]  }
0x2: {  	s5 =	rddreg [dreg:$0x1]  }
0x3: {  	s0 =	rddreg [dreg:$0x2]  }
0x4: {  	s2 =	simm.s32 $0x0;
	s3 =	srdreg.scid;
	s1 =	stileid.u32  }
0x5: {  	s12 =	simm.s32 $0x4;
	s13 =	simm.s32 $0x40;
	s14 =	simm.s32 $0x2080  }
0x6: {  	s15 =	simm.s32 $0x1;
	s16 =	simm.s32 $0x2;
	s17 =	simm.s32 $0x3  }
0x7: {  	[smem:$0x7FF] =	sst s2;
	s3 =	sand.u32 $0x1, s3;
	s6 =	sshll.u32 s1, $0x1  }
0x8: {  	s18 =	simm.s32 $0x0;
	_ =	strace $0x80000047;
	s6 =	sor.u32 s3, s6  }
0x9: {  	s7 =	ssub.s32 $0x2, s3;
	s3 =	sadd.s32 $0x1000, s4;
	s8 =	sshll.u32 s6, $0xD  }
0xa: {  	s9 =	sshrl.u32 s7, $0x1;
	s31 =	sshll.u32 s6, $0x4;
	s10 =	sadd.s32 s8, s4  }
0xb: {  	s11 =	ssub.s32 s7, s9;
	s4 =	sadd.s32 s5, s31;
	s5 =	sadd.s32 $0x10400, s10  }
0xc: {  	s6 =	sadd.s32 $0x10410, s10;
	s7 =	sadd.s32 $0x10420, s10;
	s8 =	sadd.s32 $0x11400, s10  }
0xd: {  	s9 =	sadd.s32 $0x11410, s10;
	s10 =	sadd.s32 $0x11420, s10;
	s11 =	smax.u32 s11, $0x1  }
.LBB2_1:
0xe: {  	[tilespmem:s2], [sflag:$0x4] =	stream.linear.gather [hbm4b:s4+s2], $0x80, $0x38;
	[tilespmem:$0x4080] =	vst v63  }
0xf: {  	_ =	swait.ge [sflag:s12], $0x80  }
0x10: {  	[sflag:s12] =	ssyncset.done $0x0  }
0x11: {  	s19 =	simm.s32 $0x80;
	[sflag:s12] =	ssyncadd.s32 $0xFFFFFF80  }
0x12: {  	[tilespmem:s19], [sflag:$0x1] =	stream.indirect.gather [hbm4b:s3+s13], $0x80, s2, s13, $0xb8;
	[tilespmem:$0x4080] =	vst v63  }
0x13: {  	_ = 	snop  }
0x14: {  	[tilespmem:s14], [sflag:$0x2] =	stream.indirect.gather [hbm4b:s3+s13], $0x80, s13, s13, $0xb8;
	[tilespmem:$0x4080] =	vst v63  }
0x15: {  	_ =	swait.ge [sflag:s15], $0x2000  }
0x16: {  	s20 =	simm.s32 $0x40;
	[sflag:s15] =	ssyncset.done $0x0  }
0x17: {  	s22 =	sadd.s32 $0x0, s5;
	s21 =	simm.s32 $0x100;
	[sflag:s15] =	ssyncadd.s32 $0xFFFFE000  }
.LBB2_2:
0x18: {  	[hbm4b:s22+s2] =	stream.linear.scatter [tilespmem:s19], [sflag:$0x3], $0x20, $0x38;
	[tilespmem:$0x4080] =	vst v63  }
0x19: {  	s22 =	smov.u32 s20;
	s19 =	smov.u32 s21;
	p0 =	sne.s32 s20, $0xFC0  }
.Ltmp0:
0x1a: {  	s20 =	sadd.s32 $0x40, s20;
	(pc) =	sbr.rel @p0 .LBB2_2-.Ltmp0, $2  }
0x1b: {  	_ =	sdelay $0x2  }
0x1c: {  	s21 =	sadd.s32 $0x80, s21;
	s22 =	sadd.s32 s22, s5  }
0x1d: {  	[hbm4b:s22+s2] =	stream.linear.scatter [tilespmem:s19], [sflag:$0x3], $0x20, $0x38;
	[tilespmem:$0x4080] =	vst v63  }
0x1e: {  	s19 =	simm.s32 $0xA0  }
0x1f: {  	s20 =	simm.s32 $0x40;
	s22 =	sadd.s32 $0x0, s6;
	s21 =	simm.s32 $0x120  }
.LBB2_4:
0x20: {  	[hbm4b:s22+s2] =	stream.linear.scatter [tilespmem:s19], [sflag:$0x3], $0x20, $0x38;
	[tilespmem:$0x4080] =	vst v63  }
0x21: {  	s22 =	smov.u32 s20;
	s19 =	smov.u32 s21;
	p0 =	sne.s32 s20, $0xFC0  }
.Ltmp1:
0x22: {  	s20 =	sadd.s32 $0x40, s20;
	(pc) =	sbr.rel @p0 .LBB2_4-.Ltmp1, $2  }
0x23: {  	_ =	sdelay $0x2  }
0x24: {  	s21 =	sadd.s32 $0x80, s21;
	s22 =	sadd.s32 s22, s6  }
0x25: {  	[hbm4b:s22+s2] =	stream.linear.scatter [tilespmem:s19], [sflag:$0x3], $0x20, $0x38;
	[tilespmem:$0x4080] =	vst v63  }
0x26: {  	s19 =	simm.s32 $0xC0  }
0x27: {  	s20 =	simm.s32 $0x40;
	s22 =	sadd.s32 $0x0, s7;
	s21 =	simm.s32 $0x140  }
.LBB2_6:
0x28: {  	[hbm4b:s22+s2] =	stream.linear.scatter [tilespmem:s19], [sflag:$0x3], $0x20, $0x38;
	[tilespmem:$0x4080] =	vst v63  }
0x29: {  	s22 =	smov.u32 s20;
	s19 =	smov.u32 s21;
	p0 =	sne.s32 s20, $0xFC0  }
.Ltmp2:
0x2a: {  	s20 =	sadd.s32 $0x40, s20;
	(pc) =	sbr.rel @p0 .LBB2_6-.Ltmp2, $2  }
0x2b: {  	_ =	sdelay $0x2  }
0x2c: {  	s21 =	sadd.s32 $0x80, s21;
	s22 =	sadd.s32 s22, s7  }
0x2d: {  	[hbm4b:s22+s2] =	stream.linear.scatter [tilespmem:s19], [sflag:$0x3], $0x20, $0x38;
	[tilespmem:$0x4080] =	vst v63  }
0x2e: {  	_ =	swait.ge [sflag:s16], $0x2000  }
0x2f: {  	s19 =	simm.s32 $0x2080;
	s20 =	simm.s32 $0x40;
	[sflag:s16] =	ssyncset.done $0x0  }
0x30: {  	s22 =	sadd.s32 $0x0, s8;
	s21 =	simm.s32 $0x2100;
	[sflag:s16] =	ssyncadd.s32 $0xFFFFE000  }
.LBB2_8:
0x31: {  	[hbm4b:s22+s2] =	stream.linear.scatter [tilespmem:s19], [sflag:$0x3], $0x20, $0x38;
	[tilespmem:$0x4080] =	vst v63  }
0x32: {  	s22 =	smov.u32 s20;
	s19 =	smov.u32 s21;
	p0 =	sne.s32 s20, $0xFC0  }
.Ltmp3:
0x33: {  	s20 =	sadd.s32 $0x40, s20;
	(pc) =	sbr.rel @p0 .LBB2_8-.Ltmp3, $2  }
0x34: {  	_ =	sdelay $0x2  }
0x35: {  	s21 =	sadd.s32 $0x80, s21;
	s22 =	sadd.s32 s22, s8  }
0x36: {  	[hbm4b:s22+s2] =	stream.linear.scatter [tilespmem:s19], [sflag:$0x3], $0x20, $0x38;
	[tilespmem:$0x4080] =	vst v63  }
0x37: {  	s19 =	simm.s32 $0x20A0  }
0x38: {  	s20 =	simm.s32 $0x40;
	s22 =	sadd.s32 $0x0, s9;
	s21 =	simm.s32 $0x2120  }
.LBB2_10:
0x39: {  	[hbm4b:s22+s2] =	stream.linear.scatter [tilespmem:s19], [sflag:$0x3], $0x20, $0x38;
	[tilespmem:$0x4080] =	vst v63  }
0x3a: {  	s22 =	smov.u32 s20;
	s19 =	smov.u32 s21;
	p0 =	sne.s32 s20, $0xFC0  }
.Ltmp4:
0x3b: {  	s20 =	sadd.s32 $0x40, s20;
	(pc) =	sbr.rel @p0 .LBB2_10-.Ltmp4, $2  }
0x3c: {  	_ =	sdelay $0x2  }
0x3d: {  	s21 =	sadd.s32 $0x80, s21;
	s22 =	sadd.s32 s22, s9  }
0x3e: {  	[hbm4b:s22+s2] =	stream.linear.scatter [tilespmem:s19], [sflag:$0x3], $0x20, $0x38;
	[tilespmem:$0x4080] =	vst v63  }
0x3f: {  	s19 =	simm.s32 $0x20C0  }
0x40: {  	s20 =	simm.s32 $0x40;
	s22 =	sadd.s32 $0x0, s10;
	s21 =	simm.s32 $0x2140  }
.LBB2_12:
0x41: {  	[hbm4b:s22+s2] =	stream.linear.scatter [tilespmem:s19], [sflag:$0x3], $0x20, $0x38;
	[tilespmem:$0x4080] =	vst v63  }
0x42: {  	s22 =	smov.u32 s20;
	s19 =	smov.u32 s21;
	p0 =	sne.s32 s20, $0xFC0  }
.Ltmp5:
0x43: {  	s20 =	sadd.s32 $0x40, s20;
	(pc) =	sbr.rel @p0 .LBB2_12-.Ltmp5, $2  }
0x44: {  	_ =	sdelay $0x2  }
0x45: {  	s21 =	sadd.s32 $0x80, s21;
	s22 =	sadd.s32 s22, s10  }
0x46: {  	[hbm4b:s22+s2] =	stream.linear.scatter [tilespmem:s19], [sflag:$0x3], $0x20, $0x38;
	[tilespmem:$0x4080] =	vst v63  }
0x47: {  	_ =	swait.ge [sflag:s17], $0x800  }
0x48: {  	[sflag:s17] =	ssyncset.done $0x0  }
0x49: {  	[sflag:s17] =	ssyncadd.s32 $0xFFFFF800  }
0x4a: {  	_ =	swait.ge [sflag:s17], $0x800  }
0x4b: {  	[sflag:s17] =	ssyncset.done $0x0  }
0x4c: {  	[sflag:s17] =	ssyncadd.s32 $0xFFFFF800  }
0x4d: {  	_ =	swait.ge [sflag:s17], $0x800  }
0x4e: {  	[sflag:s17] =	ssyncset.done $0x0  }
0x4f: {  	[sflag:s17] =	ssyncadd.s32 $0xFFFFF800  }
0x50: {  	_ =	swait.ge [sflag:s17], $0x800  }
0x51: {  	[sflag:s17] =	ssyncset.done $0x0  }
0x52: {  	s18 =	sadd.s32 $0x1, s18;
	[sflag:s17] =	ssyncadd.s32 $0xFFFFF800  }
0x53: {  	p0 =	sne.s32 s18, s11;
	_ =	swait.ge [sflag:s17], $0x800  }
.Ltmp6:
0x54: {  	[sflag:s17] =	ssyncset.done $0x0;
	(pc) =	sbr.rel @p0 .LBB2_1-.Ltmp6, $4  }
0x55: {  	[sflag:s17] =	ssyncadd.s32 $0xFFFFF800  }
0x56: {  	_ =	swait.ge [sflag:s17], $0x800  }
0x57: {  	[sflag:s17] =	ssyncset.done $0x0  }
0x58: {  	[sflag:s17] =	ssyncadd.s32 $0xFFFFF800  }
0x59: {  	_ =	sfence.sel $0x180000  }
0x5a: {  	[bflag:$0x0] =	sbarrier.arrive $0xFFFF  }
0x5b: {  	p0 =	sne.s32 s1, $0x0;
	_ =	strace $0x90000047  }
0x5c: {  	s0 =	sadd.s32 @!p0 $0x100000, s0;
	[bflag:$0x2] =	sbarrier.arrive $0xFFFF  }
0x5d: {  	[sflag:s0] =	ssyncadd.tile.s32 @!p0 $0x1;
	_ =	shalt  }
.Lfunc_end2:
_tile_overlayer_lowered:
.L_overlay_start_2:
0x5e: {  	(tag) =	ssettag $0x2  }
0x5f: {  	s0 =	rddreg [dreg:$0x0];
	s2 =	stileid.u32  }
0x60: {  	s1 =	rddreg [dreg:$0x1];
	p0 =	sne.s32 s2, $0x0  }
0x61: {  	s3 =	rddreg [dreg:$0x2];
	[bflag:$0x3] =	sbarrier.arrive $0xFFFF;
	s2 =	simm.s32 @!p0 $0x1C04  }
0x62: {  	[timem:s3], [sflag:s2] =	dma.local @!p0 [hbm:s0], s1  }
0x63: {  	s0 =	simm.s32 @!p0 $0x4  }
0x64: {  	_ =	swait.ge @!p0 [sflag:s0], s1  }
0x65: {  	s1 =	ssub.s32 @!p0 $0x0, s1;
	[sflag:s0] =	ssyncset.done @!p0 $0x0  }
0x66: {  	[sflag:s0] =	ssyncadd.s32 @!p0 s1  }
0x67: {  	[bflag:$0x3] =	sbarrier.arrive $0xFFFF  }
0x68: {  	_ =	shalt  }

</sc_bundles>
